<compile_context>
chip_gen: v7x
topology: tpu7x:2x2x1
jax: 0.10.2.dev20260603
libtpu: 0.0.44.dev20260713+nightly
codegen_flags: <defaults>
</compile_context>

<pallas_src>
import functools

import jax
import jax.numpy as jnp
from jax import lax
from jax.experimental import pallas as pl
from jax.experimental.pallas import tpu as pltpu
from jax.experimental.pallas import tpu_sc as plsc

B = 16384
D = 64
N = 1000000

NC = 2
NS = 16
NW = NC * NS
BPW = B // NW
CH = BPW // 2


def _sc_gather_body(idx_hbm, tab, out, idx_v, buf0, buf1, sg0, sg1, so0, so1):
    wid = lax.axis_index("s") * NC + lax.axis_index("c")
    base = wid * BPW
    pltpu.sync_copy(idx_hbm.at[pl.ds(base, BPW)], idx_v)
    g0 = pltpu.async_copy(tab.at[idx_v.at[pl.ds(0, CH)]], buf0, sg0)
    g1 = pltpu.async_copy(tab.at[idx_v.at[pl.ds(CH, CH)]], buf1, sg1)
    g0.wait()
    o0 = pltpu.async_copy(buf0, out.at[pl.ds(base, CH)], so0)
    g1.wait()
    o1 = pltpu.async_copy(buf1, out.at[pl.ds(base + CH, CH)], so1)
    o0.wait()
    o1.wait()


@functools.cache
def _sc_gather():
    mesh = plsc.VectorSubcoreMesh(
        core_axis_name="c", subcore_axis_name="s", num_cores=NC, num_subcores=NS
    )
    return pl.kernel(
        _sc_gather_body,
        out_type=jax.ShapeDtypeStruct((B, 128), jnp.float32),
        mesh=mesh,
        scratch_types=[
            pltpu.VMEM((BPW,), jnp.int32),
            pltpu.VMEM((CH, 128), jnp.float32),
            pltpu.VMEM((CH, 128), jnp.float32),
            pltpu.SemaphoreType.DMA,
            pltpu.SemaphoreType.DMA,
            pltpu.SemaphoreType.DMA,
            pltpu.SemaphoreType.DMA,
        ],
    )


def _tc_body(su_ref, si_ref,
             w1_ref, b1_ref, w2_ref, b2_ref, w3_ref, b3_ref,
             wp_ref, bp_ref, out_ref):
    su = su_ref[...].astype(jnp.float32)
    si = si_ref[...].astype(jnp.float32)
    gu, mu = su[:, :D], su[:, D:]
    gi, mi = si[:, :D], si[:, D:]
    w1 = w1_ref[...]
    h = jnp.dot(mu, w1[:D], preferred_element_type=jnp.float32)
    h = h + jnp.dot(mi, w1[D:], preferred_element_type=jnp.float32)
    h = jnp.maximum(h + b1_ref[...], 0.0)
    h = jnp.maximum(
        jnp.dot(h, w2_ref[...], preferred_element_type=jnp.float32) + b2_ref[...], 0.0)
    h = jnp.maximum(
        jnp.dot(h, w3_ref[...], preferred_element_type=jnp.float32) + b3_ref[...], 0.0)
    g = gu * gi
    wp = wp_ref[...]
    pred = jnp.dot(g, wp[:D], preferred_element_type=jnp.float32)
    pred = pred + jnp.dot(h, wp[D:], preferred_element_type=jnp.float32)
    out_ref[...] = pred + bp_ref[...]


def _tc_dense(su, si, W1, b1, W2, b2, W3, b3, Wp, bp):
    R = 2048
    grid = (B // R,)
    row_spec = pl.BlockSpec((R, 128), lambda r: (r, 0))

    def full(shape):
        return pl.BlockSpec(shape, lambda r: (0,) * len(shape))

    return pl.pallas_call(
        _tc_body,
        grid=grid,
        in_specs=[
            row_spec, row_spec,
            full(W1.shape), full((1, b1.shape[0])),
            full(W2.shape), full((1, b2.shape[0])),
            full(W3.shape), full((1, b3.shape[0])),
            full(Wp.shape), full((1, 1)),
        ],
        out_specs=pl.BlockSpec((R, 1), lambda r: (r, 0)),
        out_shape=jax.ShapeDtypeStruct((B, 1), jnp.float32),
    )(su, si, W1, b1.reshape(1, -1), W2, b2.reshape(1, -1),
      W3, b3.reshape(1, -1), Wp, bp.reshape(1, 1))


def kernel(u, i, gmf_user_table, gmf_item_table, mlp_user_table, mlp_item_table,
           W1, b1, W2, b2, W3, b3, Wp, bp):
    u = u.astype(jnp.int32)
    i = i.astype(jnp.int32)
    gather = _sc_gather()
    tu = jnp.concatenate([gmf_user_table, mlp_user_table], axis=1)
    ti = jnp.concatenate([gmf_item_table, mlp_item_table], axis=1)
    su = gather(u, tu)
    si = gather(i, ti)
    out = _tc_dense(su, si, W1, b1, W2, b2, W3, b3, Wp, bp)
    return out[:, 0]

# --- scband reference (transcript-rebuilt; emitter-appended) ---
"""Pipeline reference for scband-neural-cf-88587995447757 (READ-ONLY COPY).

The authoritative reference and input builder live on the scoring server;
editing this copy changes nothing except your own understanding.
"""

import jax, jax.numpy as jnp
import numpy as np

N_USERS = 1000000
N_ITEMS = 1000000
D = 64
B = 16384
HIDDEN = [128, 64, 32]


def setup_inputs(seed: int = 0) -> dict:
    key = jax.random.key(seed)
    ks = jax.random.split(key, 16)
    u = jax.random.randint(ks[0], (B,), 0, N_USERS)
    i = jax.random.randint(ks[1], (B,), 0, N_ITEMS)
    gmf_user_table = jax.random.normal(ks[2], (N_USERS, D), dtype=jnp.float32) * 0.05
    gmf_item_table = jax.random.normal(ks[3], (N_ITEMS, D), dtype=jnp.float32) * 0.05
    mlp_user_table = jax.random.normal(ks[4], (N_USERS, D), dtype=jnp.float32) * 0.05
    mlp_item_table = jax.random.normal(ks[5], (N_ITEMS, D), dtype=jnp.float32) * 0.05
    # MLP weights stored as [in, out] (xavier-like scale)
    dims = [2 * D] + HIDDEN
    W1 = jax.random.normal(ks[6], (dims[0], dims[1]), dtype=jnp.float32) * (2.0 / (dims[0] + dims[1])) ** 0.5
    b1 = jnp.zeros((dims[1],), dtype=jnp.float32)
    W2 = jax.random.normal(ks[7], (dims[1], dims[2]), dtype=jnp.float32) * (2.0 / (dims[1] + dims[2])) ** 0.5
    b2 = jnp.zeros((dims[2],), dtype=jnp.float32)
    W3 = jax.random.normal(ks[8], (dims[2], dims[3]), dtype=jnp.float32) * (2.0 / (dims[2] + dims[3])) ** 0.5
    b3 = jnp.zeros((dims[3],), dtype=jnp.float32)
    pred_in = D + HIDDEN[-1]
    Wp = jax.random.normal(ks[9], (pred_in, 1), dtype=jnp.float32) * (2.0 / (pred_in + 1)) ** 0.5
    bp = jnp.zeros((1,), dtype=jnp.float32)
    return {
        'u': u, 'i': i,
        'gmf_user_table': gmf_user_table, 'gmf_item_table': gmf_item_table,
        'mlp_user_table': mlp_user_table, 'mlp_item_table': mlp_item_table,
        'W1': W1, 'b1': b1, 'W2': W2, 'b2': b2, 'W3': W3, 'b3': b3,
        'Wp': Wp, 'bp': bp,
    }


def reference(u, i, gmf_user_table, gmf_item_table, mlp_user_table, mlp_item_table,
              W1, b1, W2, b2, W3, b3, Wp, bp):
    # GMF branch: elementwise product of gathered embeddings
    gmf_user_vec = jnp.take(gmf_user_table, u, axis=0)
    gmf_item_vec = jnp.take(gmf_item_table, i, axis=0)
    gmf_output = gmf_user_vec * gmf_item_vec
    # MLP branch (dropout is identity in inference)
    mlp_user_vec = jnp.take(mlp_user_table, u, axis=0)
    mlp_item_vec = jnp.take(mlp_item_table, i, axis=0)
    x = jnp.concatenate([mlp_user_vec, mlp_item_vec], axis=1)
    x = jax.nn.relu(x @ W1 + b1)
    x = jax.nn.relu(x @ W2 + b2)
    x = jax.nn.relu(x @ W3 + b3)
    concat_output = jnp.concatenate([gmf_output, x], axis=1)
    prediction = (concat_output @ Wp + bp).squeeze(-1)
    return prediction

if __name__ == "__main__":
    import jax
    _d = setup_inputs()
    print(jax.jit(kernel)(*tuple(_d.values())))

</pallas_src>

<mosaic_0001>
#map = affine_map<(d0, d1) -> (0)>
#map1 = affine_map<(d0, d1) -> (0, 0)>
module attributes {stable_mosaic.version = 14 : i64} {
  func.func @_sc_gather_body(%arg0: i32, %arg1: i32, %arg2: memref<16384xi32, #tpu.memory_space<hbm>>, %arg3: memref<1000000x128xf32, #tpu.memory_space<hbm>>, %arg4: memref<16384x128xf32, #tpu.memory_space<hbm>>, %arg5: memref<512xi32, #tpu.memory_space<vmem>>, %arg6: memref<256x128xf32, #tpu.memory_space<vmem>>, %arg7: memref<256x128xf32, #tpu.memory_space<vmem>>, %arg8: memref<!tpu.dma_semaphore, #tpu.memory_space<semaphore_mem>>, %arg9: memref<!tpu.dma_semaphore, #tpu.memory_space<semaphore_mem>>, %arg10: memref<!tpu.dma_semaphore, #tpu.memory_space<semaphore_mem>>, %arg11: memref<!tpu.dma_semaphore, #tpu.memory_space<semaphore_mem>>) attributes {dimension_semantics = [#tpu.dimension_semantics<core_parallel>, #tpu.dimension_semantics<subcore_parallel>], iteration_bounds = array<i64: 2, 16>, scalar_prefetch = 0 : i64, scratch_operands = 7 : i64, tpu.core_type = #tpu.core_type<sc_vector_subcore>, window_params = [{transform_indices = #map}, {transform_indices = #map1}, {transform_indices = #map1}]} {
    %mul3A = arith.constant 2 : i32
    %mul3A_0 = arith.muli %arg1, %mul3A : i32
    %add3A = arith.addi %mul3A_0, %arg0 : i32
    %mul3A_1 = arith.constant 512 : i32
    %mul3A_2 = arith.muli %add3A, %mul3A_1 : i32
    "tpu.region"() ({
      %run_scoped3A = tpu.sem_alloc : memref<!tpu.dma_semaphore, #tpu.memory_space<semaphore_mem>>
      %dma_start3A_39 = tpu.memref_slice %arg2[%mul3A_2] : memref<16384xi32, #tpu.memory_space<hbm>> -> memref<512xi32, #tpu.memory_space<hbm>>
      %dma_start3A_40 = tpu.memref_slice %arg2[%mul3A_2] : memref<16384xi32, #tpu.memory_space<hbm>> -> memref<512xi32, #tpu.memory_space<hbm>>
      tpu.enqueue_dma source(%dma_start3A_40 : memref<512xi32, #tpu.memory_space<hbm>>) target(%arg5 : memref<512xi32, #tpu.memory_space<vmem>>) target_semaphore(%run_scoped3A : memref<!tpu.dma_semaphore, #tpu.memory_space<semaphore_mem>>)
      %dma_wait3A_41 = tpu.memref_slice %arg2[%mul3A_2] : memref<16384xi32, #tpu.memory_space<hbm>> -> memref<512xi32, #tpu.memory_space<hbm>>
      %dma_wait3A_42 = tpu.memref_slice %arg2[%mul3A_2] : memref<16384xi32, #tpu.memory_space<hbm>> -> memref<512xi32, #tpu.memory_space<hbm>>
      tpu.wait_dma2 semaphore(%run_scoped3A : memref<!tpu.dma_semaphore, #tpu.memory_space<semaphore_mem>>) src(%dma_wait3A_42 : memref<512xi32, #tpu.memory_space<hbm>>) dst(%arg5 : memref<512xi32, #tpu.memory_space<vmem>>)
      tpu.yield
    }) : () -> ()
    %dma_start3A = arith.constant 0 : i32
    %dma_start3A_3 = tpu.memref_slice %arg5[%dma_start3A] : memref<512xi32, #tpu.memory_space<vmem>> -> memref<256xi32, #tpu.memory_space<vmem>>
    %dma_start3A_4 = arith.constant 0 : i32
    %dma_start3A_5 = arith.constant 0 : i32
    %dma_start3A_6 = tpu.memref_slice %arg3[%dma_start3A_4, %dma_start3A_5] : memref<1000000x128xf32, #tpu.memory_space<hbm>> -> memref<1000000x128xf32, #tpu.memory_space<hbm>>
    tpu.enqueue_indirect_dma source(%dma_start3A_6 : memref<1000000x128xf32, #tpu.memory_space<hbm>>) target(%arg6 : memref<256x128xf32, #tpu.memory_space<vmem>>) offsets(%dma_start3A_3 : memref<256xi32, #tpu.memory_space<vmem>>) semaphore(%arg8 : memref<!tpu.dma_semaphore, #tpu.memory_space<semaphore_mem>>)
    %dma_start3A_7 = arith.constant 256 : i32
    %dma_start3A_8 = tpu.memref_slice %arg5[%dma_start3A_7] : memref<512xi32, #tpu.memory_space<vmem>> -> memref<256xi32, #tpu.memory_space<vmem>>
    %dma_start3A_9 = arith.constant 0 : i32
    %dma_start3A_10 = arith.constant 0 : i32
    %dma_start3A_11 = tpu.memref_slice %arg3[%dma_start3A_9, %dma_start3A_10] : memref<1000000x128xf32, #tpu.memory_space<hbm>> -> memref<1000000x128xf32, #tpu.memory_space<hbm>>
    tpu.enqueue_indirect_dma source(%dma_start3A_11 : memref<1000000x128xf32, #tpu.memory_space<hbm>>) target(%arg7 : memref<256x128xf32, #tpu.memory_space<vmem>>) offsets(%dma_start3A_8 : memref<256xi32, #tpu.memory_space<vmem>>) semaphore(%arg9 : memref<!tpu.dma_semaphore, #tpu.memory_space<semaphore_mem>>)
    %dma_wait3A = arith.constant 0 : i32
    %dma_wait3A_12 = tpu.memref_slice %arg5[%dma_wait3A] : memref<512xi32, #tpu.memory_space<vmem>> -> memref<256xi32, #tpu.memory_space<vmem>>
    %dma_wait3A_13 = arith.constant 0 : i32
    %dma_wait3A_14 = arith.constant 0 : i32
    %dma_wait3A_15 = tpu.memref_slice %arg3[%dma_wait3A_13, %dma_wait3A_14] : memref<1000000x128xf32, #tpu.memory_space<hbm>> -> memref<1000000x128xf32, #tpu.memory_space<hbm>>
    tpu.wait_indirect_dma semaphore(%arg8 : memref<!tpu.dma_semaphore, #tpu.memory_space<semaphore_mem>>) src(%dma_wait3A_15 : memref<1000000x128xf32, #tpu.memory_space<hbm>>) dst(%arg6 : memref<256x128xf32, #tpu.memory_space<vmem>>)
    %dma_start3A_16 = arith.constant 0 : i32
    %dma_start3A_17 = tpu.memref_slice %arg4[%mul3A_2, %dma_start3A_16] : memref<16384x128xf32, #tpu.memory_space<hbm>> -> memref<256x128xf32, #tpu.memory_space<hbm>>
    %dma_start3A_18 = arith.constant 0 : i32
    %dma_start3A_19 = tpu.memref_slice %arg4[%mul3A_2, %dma_start3A_18] : memref<16384x128xf32, #tpu.memory_space<hbm>> -> memref<256x128xf32, #tpu.memory_space<hbm>>
    tpu.enqueue_dma source(%arg6 : memref<256x128xf32, #tpu.memory_space<vmem>>) target(%dma_start3A_19 : memref<256x128xf32, #tpu.memory_space<hbm>>) target_semaphore(%arg10 : memref<!tpu.dma_semaphore, #tpu.memory_space<semaphore_mem>>)
    %dma_wait3A_20 = arith.constant 256 : i32
    %dma_wait3A_21 = tpu.memref_slice %arg5[%dma_wait3A_20] : memref<512xi32, #tpu.memory_space<vmem>> -> memref<256xi32, #tpu.memory_space<vmem>>
    %dma_wait3A_22 = arith.constant 0 : i32
    %dma_wait3A_23 = arith.constant 0 : i32
    %dma_wait3A_24 = tpu.memref_slice %arg3[%dma_wait3A_22, %dma_wait3A_23] : memref<1000000x128xf32, #tpu.memory_space<hbm>> -> memref<1000000x128xf32, #tpu.memory_space<hbm>>
    tpu.wait_indirect_dma semaphore(%arg9 : memref<!tpu.dma_semaphore, #tpu.memory_space<semaphore_mem>>) src(%dma_wait3A_24 : memref<1000000x128xf32, #tpu.memory_space<hbm>>) dst(%arg7 : memref<256x128xf32, #tpu.memory_space<vmem>>)
    %add3A_25 = arith.constant 256 : i32
    %add3A_26 = arith.addi %mul3A_2, %add3A_25 : i32
    %dma_start3A_27 = arith.constant 0 : i32
    %dma_start3A_28 = tpu.memref_slice %arg4[%add3A_26, %dma_start3A_27] : memref<16384x128xf32, #tpu.memory_space<hbm>> -> memref<256x128xf32, #tpu.memory_space<hbm>>
    %dma_start3A_29 = arith.constant 0 : i32
    %dma_start3A_30 = tpu.memref_slice %arg4[%add3A_26, %dma_start3A_29] : memref<16384x128xf32, #tpu.memory_space<hbm>> -> memref<256x128xf32, #tpu.memory_space<hbm>>
    tpu.enqueue_dma source(%arg7 : memref<256x128xf32, #tpu.memory_space<vmem>>) target(%dma_start3A_30 : memref<256x128xf32, #tpu.memory_space<hbm>>) target_semaphore(%arg11 : memref<!tpu.dma_semaphore, #tpu.memory_space<semaphore_mem>>)
    %dma_wait3A_31 = arith.constant 0 : i32
    %dma_wait3A_32 = tpu.memref_slice %arg4[%mul3A_2, %dma_wait3A_31] : memref<16384x128xf32, #tpu.memory_space<hbm>> -> memref<256x128xf32, #tpu.memory_space<hbm>>
    %dma_wait3A_33 = arith.constant 0 : i32
    %dma_wait3A_34 = tpu.memref_slice %arg4[%mul3A_2, %dma_wait3A_33] : memref<16384x128xf32, #tpu.memory_space<hbm>> -> memref<256x128xf32, #tpu.memory_space<hbm>>
    tpu.wait_dma2 semaphore(%arg10 : memref<!tpu.dma_semaphore, #tpu.memory_space<semaphore_mem>>) src(%arg6 : memref<256x128xf32, #tpu.memory_space<vmem>>) dst(%dma_wait3A_34 : memref<256x128xf32, #tpu.memory_space<hbm>>)
    %dma_wait3A_35 = arith.constant 0 : i32
    %dma_wait3A_36 = tpu.memref_slice %arg4[%add3A_26, %dma_wait3A_35] : memref<16384x128xf32, #tpu.memory_space<hbm>> -> memref<256x128xf32, #tpu.memory_space<hbm>>
    %dma_wait3A_37 = arith.constant 0 : i32
    %dma_wait3A_38 = tpu.memref_slice %arg4[%add3A_26, %dma_wait3A_37] : memref<16384x128xf32, #tpu.memory_space<hbm>> -> memref<256x128xf32, #tpu.memory_space<hbm>>
    tpu.wait_dma2 semaphore(%arg11 : memref<!tpu.dma_semaphore, #tpu.memory_space<semaphore_mem>>) src(%arg7 : memref<256x128xf32, #tpu.memory_space<vmem>>) dst(%dma_wait3A_38 : memref<256x128xf32, #tpu.memory_space<hbm>>)
    return
  }
}

#map = affine_map<(d0, d1) -> (0)>
#map1 = affine_map<(d0, d1) -> (0, 0)>
module attributes {stable_mosaic.version = 14 : i64} {
  func.func @_sc_gather_body(%arg0: i32, %arg1: i32, %arg2: memref<16384xi32, #tpu.memory_space<hbm>>, %arg3: memref<1000000x128xf32, #tpu.memory_space<hbm>>, %arg4: memref<16384x128xf32, #tpu.memory_space<hbm>>, %arg5: memref<512xi32, #tpu.memory_space<vmem>>, %arg6: memref<256x128xf32, #tpu.memory_space<vmem>>, %arg7: memref<256x128xf32, #tpu.memory_space<vmem>>, %arg8: memref<!tpu.dma_semaphore, #tpu.memory_space<semaphore_mem>>, %arg9: memref<!tpu.dma_semaphore, #tpu.memory_space<semaphore_mem>>, %arg10: memref<!tpu.dma_semaphore, #tpu.memory_space<semaphore_mem>>, %arg11: memref<!tpu.dma_semaphore, #tpu.memory_space<semaphore_mem>>) attributes {dimension_semantics = [#tpu.dimension_semantics<core_parallel>, #tpu.dimension_semantics<subcore_parallel>], iteration_bounds = array<i64: 2, 16>, scalar_prefetch = 0 : i64, scratch_operands = 7 : i64, tpu.core_type = #tpu.core_type<sc_vector_subcore>, window_params = [{transform_indices = #map}, {transform_indices = #map1}, {transform_indices = #map1}]} {
    %mul3A = arith.constant 2 : i32
    %mul3A_0 = arith.muli %arg1, %mul3A : i32
    %add3A = arith.addi %mul3A_0, %arg0 : i32
    %mul3A_1 = arith.constant 512 : i32
    %mul3A_2 = arith.muli %add3A, %mul3A_1 : i32
    "tpu.region"() ({
      %run_scoped3A = tpu.sem_alloc : memref<!tpu.dma_semaphore, #tpu.memory_space<semaphore_mem>>
      %dma_start3A_39 = tpu.memref_slice %arg2[%mul3A_2] : memref<16384xi32, #tpu.memory_space<hbm>> -> memref<512xi32, #tpu.memory_space<hbm>>
      %dma_start3A_40 = tpu.memref_slice %arg2[%mul3A_2] : memref<16384xi32, #tpu.memory_space<hbm>> -> memref<512xi32, #tpu.memory_space<hbm>>
      tpu.enqueue_dma source(%dma_start3A_40 : memref<512xi32, #tpu.memory_space<hbm>>) target(%arg5 : memref<512xi32, #tpu.memory_space<vmem>>) target_semaphore(%run_scoped3A : memref<!tpu.dma_semaphore, #tpu.memory_space<semaphore_mem>>)
      %dma_wait3A_41 = tpu.memref_slice %arg2[%mul3A_2] : memref<16384xi32, #tpu.memory_space<hbm>> -> memref<512xi32, #tpu.memory_space<hbm>>
      %dma_wait3A_42 = tpu.memref_slice %arg2[%mul3A_2] : memref<16384xi32, #tpu.memory_space<hbm>> -> memref<512xi32, #tpu.memory_space<hbm>>
      tpu.wait_dma2 semaphore(%run_scoped3A : memref<!tpu.dma_semaphore, #tpu.memory_space<semaphore_mem>>) src(%dma_wait3A_42 : memref<512xi32, #tpu.memory_space<hbm>>) dst(%arg5 : memref<512xi32, #tpu.memory_space<vmem>>)
      tpu.yield
    }) : () -> ()
    %dma_start3A = arith.constant 0 : i32
    %dma_start3A_3 = tpu.memref_slice %arg5[%dma_start3A] : memref<512xi32, #tpu.memory_space<vmem>> -> memref<256xi32, #tpu.memory_space<vmem>>
    %dma_start3A_4 = arith.constant 0 : i32
    %dma_start3A_5 = arith.constant 0 : i32
    %dma_start3A_6 = tpu.memref_slice %arg3[%dma_start3A_4, %dma_start3A_5] : memref<1000000x128xf32, #tpu.memory_space<hbm>> -> memref<1000000x128xf32, #tpu.memory_space<hbm>>
    tpu.enqueue_indirect_dma source(%dma_start3A_6 : memref<1000000x128xf32, #tpu.memory_space<hbm>>) target(%arg6 : memref<256x128xf32, #tpu.memory_space<vmem>>) offsets(%dma_start3A_3 : memref<256xi32, #tpu.memory_space<vmem>>) semaphore(%arg8 : memref<!tpu.dma_semaphore, #tpu.memory_space<semaphore_mem>>)
    %dma_start3A_7 = arith.constant 256 : i32
    %dma_start3A_8 = tpu.memref_slice %arg5[%dma_start3A_7] : memref<512xi32, #tpu.memory_space<vmem>> -> memref<256xi32, #tpu.memory_space<vmem>>
    %dma_start3A_9 = arith.constant 0 : i32
    %dma_start3A_10 = arith.constant 0 : i32
    %dma_start3A_11 = tpu.memref_slice %arg3[%dma_start3A_9, %dma_start3A_10] : memref<1000000x128xf32, #tpu.memory_space<hbm>> -> memref<1000000x128xf32, #tpu.memory_space<hbm>>
    tpu.enqueue_indirect_dma source(%dma_start3A_11 : memref<1000000x128xf32, #tpu.memory_space<hbm>>) target(%arg7 : memref<256x128xf32, #tpu.memory_space<vmem>>) offsets(%dma_start3A_8 : memref<256xi32, #tpu.memory_space<vmem>>) semaphore(%arg9 : memref<!tpu.dma_semaphore, #tpu.memory_space<semaphore_mem>>)
    %dma_wait3A = arith.constant 0 : i32
    %dma_wait3A_12 = tpu.memref_slice %arg5[%dma_wait3A] : memref<512xi32, #tpu.memory_space<vmem>> -> memref<256xi32, #tpu.memory_space<vmem>>
    %dma_wait3A_13 = arith.constant 0 : i32
    %dma_wait3A_14 = arith.constant 0 : i32
    %dma_wait3A_15 = tpu.memref_slice %arg3[%dma_wait3A_13, %dma_wait3A_14] : memref<1000000x128xf32, #tpu.memory_space<hbm>> -> memref<1000000x128xf32, #tpu.memory_space<hbm>>
    tpu.wait_indirect_dma semaphore(%arg8 : memref<!tpu.dma_semaphore, #tpu.memory_space<semaphore_mem>>) src(%dma_wait3A_15 : memref<1000000x128xf32, #tpu.memory_space<hbm>>) dst(%arg6 : memref<256x128xf32, #tpu.memory_space<vmem>>)
    %dma_start3A_16 = arith.constant 0 : i32
    %dma_start3A_17 = tpu.memref_slice %arg4[%mul3A_2, %dma_start3A_16] : memref<16384x128xf32, #tpu.memory_space<hbm>> -> memref<256x128xf32, #tpu.memory_space<hbm>>
    %dma_start3A_18 = arith.constant 0 : i32
    %dma_start3A_19 = tpu.memref_slice %arg4[%mul3A_2, %dma_start3A_18] : memref<16384x128xf32, #tpu.memory_space<hbm>> -> memref<256x128xf32, #tpu.memory_space<hbm>>
    tpu.enqueue_dma source(%arg6 : memref<256x128xf32, #tpu.memory_space<vmem>>) target(%dma_start3A_19 : memref<256x128xf32, #tpu.memory_space<hbm>>) target_semaphore(%arg10 : memref<!tpu.dma_semaphore, #tpu.memory_space<semaphore_mem>>)
    %dma_wait3A_20 = arith.constant 256 : i32
    %dma_wait3A_21 = tpu.memref_slice %arg5[%dma_wait3A_20] : memref<512xi32, #tpu.memory_space<vmem>> -> memref<256xi32, #tpu.memory_space<vmem>>
    %dma_wait3A_22 = arith.constant 0 : i32
    %dma_wait3A_23 = arith.constant 0 : i32
    %dma_wait3A_24 = tpu.memref_slice %arg3[%dma_wait3A_22, %dma_wait3A_23] : memref<1000000x128xf32, #tpu.memory_space<hbm>> -> memref<1000000x128xf32, #tpu.memory_space<hbm>>
    tpu.wait_indirect_dma semaphore(%arg9 : memref<!tpu.dma_semaphore, #tpu.memory_space<semaphore_mem>>) src(%dma_wait3A_24 : memref<1000000x128xf32, #tpu.memory_space<hbm>>) dst(%arg7 : memref<256x128xf32, #tpu.memory_space<vmem>>)
    %add3A_25 = arith.constant 256 : i32
    %add3A_26 = arith.addi %mul3A_2, %add3A_25 : i32
    %dma_start3A_27 = arith.constant 0 : i32
    %dma_start3A_28 = tpu.memref_slice %arg4[%add3A_26, %dma_start3A_27] : memref<16384x128xf32, #tpu.memory_space<hbm>> -> memref<256x128xf32, #tpu.memory_space<hbm>>
    %dma_start3A_29 = arith.constant 0 : i32
    %dma_start3A_30 = tpu.memref_slice %arg4[%add3A_26, %dma_start3A_29] : memref<16384x128xf32, #tpu.memory_space<hbm>> -> memref<256x128xf32, #tpu.memory_space<hbm>>
    tpu.enqueue_dma source(%arg7 : memref<256x128xf32, #tpu.memory_space<vmem>>) target(%dma_start3A_30 : memref<256x128xf32, #tpu.memory_space<hbm>>) target_semaphore(%arg11 : memref<!tpu.dma_semaphore, #tpu.memory_space<semaphore_mem>>)
    %dma_wait3A_31 = arith.constant 0 : i32
    %dma_wait3A_32 = tpu.memref_slice %arg4[%mul3A_2, %dma_wait3A_31] : memref<16384x128xf32, #tpu.memory_space<hbm>> -> memref<256x128xf32, #tpu.memory_space<hbm>>
    %dma_wait3A_33 = arith.constant 0 : i32
    %dma_wait3A_34 = tpu.memref_slice %arg4[%mul3A_2, %dma_wait3A_33] : memref<16384x128xf32, #tpu.memory_space<hbm>> -> memref<256x128xf32, #tpu.memory_space<hbm>>
    tpu.wait_dma2 semaphore(%arg10 : memref<!tpu.dma_semaphore, #tpu.memory_space<semaphore_mem>>) src(%arg6 : memref<256x128xf32, #tpu.memory_space<vmem>>) dst(%dma_wait3A_34 : memref<256x128xf32, #tpu.memory_space<hbm>>)
    %dma_wait3A_35 = arith.constant 0 : i32
    %dma_wait3A_36 = tpu.memref_slice %arg4[%add3A_26, %dma_wait3A_35] : memref<16384x128xf32, #tpu.memory_space<hbm>> -> memref<256x128xf32, #tpu.memory_space<hbm>>
    %dma_wait3A_37 = arith.constant 0 : i32
    %dma_wait3A_38 = tpu.memref_slice %arg4[%add3A_26, %dma_wait3A_37] : memref<16384x128xf32, #tpu.memory_space<hbm>> -> memref<256x128xf32, #tpu.memory_space<hbm>>
    tpu.wait_dma2 semaphore(%arg11 : memref<!tpu.dma_semaphore, #tpu.memory_space<semaphore_mem>>) src(%arg7 : memref<256x128xf32, #tpu.memory_space<vmem>>) dst(%dma_wait3A_38 : memref<256x128xf32, #tpu.memory_space<hbm>>)
    return
  }
}

module attributes {stable_mosaic.version = 14 : i64} {
  func.func @_tc_body(%arg0: i32, %arg1: memref<2048x128xf32, #tpu.memory_space<vmem>>, %arg2: memref<2048x128xf32, #tpu.memory_space<vmem>>, %arg3: memref<128x128xf32, #tpu.memory_space<vmem>>, %arg4: memref<1x128xf32, #tpu.memory_space<vmem>>, %arg5: memref<128x64xf32, #tpu.memory_space<vmem>>, %arg6: memref<1x64xf32, #tpu.memory_space<vmem>>, %arg7: memref<64x32xf32, #tpu.memory_space<vmem>>, %arg8: memref<1x32xf32, #tpu.memory_space<vmem>>, %arg9: memref<96x1xf32, #tpu.memory_space<vmem>>, %arg10: memref<1x1xf32, #tpu.memory_space<vmem>>, %arg11: memref<2048x1xf32, #tpu.memory_space<vmem>>) attributes {dimension_semantics = [#tpu.dimension_semantics<arbitrary>], iteration_bounds = array<i64: 8>, scalar_prefetch = 0 : i64, scratch_operands = 0 : i64, tpu.core_type = #tpu.core_type<tc>, window_params = [{transform_indices = @transform_0, window_bounds = array<i64: 2048, 128>}, {transform_indices = @transform_1, window_bounds = array<i64: 2048, 128>}, {pipeline_mode = #tpu.pipeline_mode<synchronous>, transform_indices = @transform_2, window_bounds = array<i64: 128, 128>}, {pipeline_mode = #tpu.pipeline_mode<synchronous>, transform_indices = @transform_3, window_bounds = array<i64: 1, 128>}, {pipeline_mode = #tpu.pipeline_mode<synchronous>, transform_indices = @transform_4, window_bounds = array<i64: 128, 64>}, {pipeline_mode = #tpu.pipeline_mode<synchronous>, transform_indices = @transform_5, window_bounds = array<i64: 1, 64>}, {pipeline_mode = #tpu.pipeline_mode<synchronous>, transform_indices = @transform_6, window_bounds = array<i64: 64, 32>}, {pipeline_mode = #tpu.pipeline_mode<synchronous>, transform_indices = @transform_7, window_bounds = array<i64: 1, 32>}, {pipeline_mode = #tpu.pipeline_mode<synchronous>, transform_indices = @transform_8, window_bounds = array<i64: 96, 1>}, {pipeline_mode = #tpu.pipeline_mode<synchronous>, transform_indices = @transform_9, window_bounds = array<i64: 1, 1>}, {transform_indices = @transform_10, window_bounds = array<i64: 2048, 1>}]} {
    %get3A = arith.constant 0 : index
    %get3A_0 = arith.constant 0 : index
    %get3A_1 = vector.load %arg1[%get3A, %get3A_0] : memref<2048x128xf32, #tpu.memory_space<vmem>>, vector<2048x128xf32>
    %get3A_2 = arith.constant 0 : index
    %get3A_3 = arith.constant 0 : index
    %get3A_4 = vector.load %arg2[%get3A_2, %get3A_3] : memref<2048x128xf32, #tpu.memory_space<vmem>>, vector<2048x128xf32>
    %slice3A = vector.extract_strided_slice %get3A_1 {offsets = [0, 0], sizes = [2048, 64], strides = [1, 1]} : vector<2048x128xf32> to vector<2048x64xf32>
    %slice3A_5 = vector.extract_strided_slice %get3A_1 {offsets = [0, 64], sizes = [2048, 64], strides = [1, 1]} : vector<2048x128xf32> to vector<2048x64xf32>
    %slice3A_6 = vector.extract_strided_slice %get3A_4 {offsets = [0, 0], sizes = [2048, 64], strides = [1, 1]} : vector<2048x128xf32> to vector<2048x64xf32>
    %slice3A_7 = vector.extract_strided_slice %get3A_4 {offsets = [0, 64], sizes = [2048, 64], strides = [1, 1]} : vector<2048x128xf32> to vector<2048x64xf32>
    %get3A_8 = arith.constant 0 : index
    %get3A_9 = arith.constant 0 : index
    %get3A_10 = vector.load %arg3[%get3A_8, %get3A_9] : memref<128x128xf32, #tpu.memory_space<vmem>>, vector<128x128xf32>
    %slice3A_11 = vector.extract_strided_slice %get3A_10 {offsets = [0, 0], sizes = [64, 128], strides = [1, 1]} : vector<128x128xf32> to vector<64x128xf32>
    %dot_general3A = arith.constant dense<0.000000e+00> : vector<2048x128xf32>
    %dot_general3A_12 = tpu.matmul %slice3A_5, %slice3A_11, %dot_general3A {dimension_numbers = #tpu.dot_dimension_numbers<[1], [0], [0], [1], [0, 0, 1, 1], [], []>, transpose_lhs_hint = false} : vector<2048x64xf32>, vector<64x128xf32>, vector<2048x128xf32> -> vector<2048x128xf32>
    %slice3A_13 = vector.extract_strided_slice %get3A_10 {offsets = [64, 0], sizes = [64, 128], strides = [1, 1]} : vector<128x128xf32> to vector<64x128xf32>
    %dot_general3A_14 = arith.constant dense<0.000000e+00> : vector<2048x128xf32>
    %dot_general3A_15 = tpu.matmul %slice3A_7, %slice3A_13, %dot_general3A_14 {dimension_numbers = #tpu.dot_dimension_numbers<[1], [0], [0], [1], [0, 0, 1, 1], [], []>, transpose_lhs_hint = false} : vector<2048x64xf32>, vector<64x128xf32>, vector<2048x128xf32> -> vector<2048x128xf32>
    %add3A = arith.addf %dot_general3A_12, %dot_general3A_15 : vector<2048x128xf32>
    %get3A_16 = arith.constant 0 : index
    %get3A_17 = arith.constant 0 : index
    %get3A_18 = vector.load %arg4[%get3A_16, %get3A_17] : memref<1x128xf32, #tpu.memory_space<vmem>>, vector<1x128xf32>
    %add3A_19 = vector.broadcast %get3A_18 : vector<1x128xf32> to vector<2048x128xf32>
    %add3A_20 = arith.addf %add3A, %add3A_19 : vector<2048x128xf32>
    %max3A = arith.constant 0.000000e+00 : f32
    %max3A_21 = vector.broadcast %max3A : f32 to vector<2048x128xf32>
    %max3A_22 = arith.maximumf %add3A_20, %max3A_21 : vector<2048x128xf32>
    %get3A_23 = arith.constant 0 : index
    %get3A_24 = arith.constant 0 : index
    %get3A_25 = vector.load %arg5[%get3A_23, %get3A_24] : memref<128x64xf32, #tpu.memory_space<vmem>>, vector<128x64xf32>
    %dot_general3A_26 = arith.constant dense<0.000000e+00> : vector<2048x64xf32>
    %dot_general3A_27 = tpu.matmul %max3A_22, %get3A_25, %dot_general3A_26 {dimension_numbers = #tpu.dot_dimension_numbers<[1], [0], [0], [1], [0, 0, 1, 1], [], []>, transpose_lhs_hint = false} : vector<2048x128xf32>, vector<128x64xf32>, vector<2048x64xf32> -> vector<2048x64xf32>
    %get3A_28 = arith.constant 0 : index
    %get3A_29 = arith.constant 0 : index
    %get3A_30 = vector.load %arg6[%get3A_28, %get3A_29] : memref<1x64xf32, #tpu.memory_space<vmem>>, vector<1x64xf32>
    %add3A_31 = vector.broadcast %get3A_30 : vector<1x64xf32> to vector<2048x64xf32>
    %add3A_32 = arith.addf %dot_general3A_27, %add3A_31 : vector<2048x64xf32>
    %max3A_33 = arith.constant 0.000000e+00 : f32
    %max3A_34 = vector.broadcast %max3A_33 : f32 to vector<2048x64xf32>
    %max3A_35 = arith.maximumf %add3A_32, %max3A_34 : vector<2048x64xf32>
    %get3A_36 = arith.constant 0 : index
    %get3A_37 = arith.constant 0 : index
    %get3A_38 = vector.load %arg7[%get3A_36, %get3A_37] : memref<64x32xf32, #tpu.memory_space<vmem>>, vector<64x32xf32>
    %dot_general3A_39 = arith.constant dense<0.000000e+00> : vector<2048x32xf32>
    %dot_general3A_40 = tpu.matmul %max3A_35, %get3A_38, %dot_general3A_39 {dimension_numbers = #tpu.dot_dimension_numbers<[1], [0], [0], [1], [0, 0, 1, 1], [], []>, transpose_lhs_hint = false} : vector<2048x64xf32>, vector<64x32xf32>, vector<2048x32xf32> -> vector<2048x32xf32>
    %get3A_41 = arith.constant 0 : index
    %get3A_42 = arith.constant 0 : index
    %get3A_43 = vector.load %arg8[%get3A_41, %get3A_42] : memref<1x32xf32, #tpu.memory_space<vmem>>, vector<1x32xf32>
    %add3A_44 = vector.broadcast %get3A_43 : vector<1x32xf32> to vector<2048x32xf32>
    %add3A_45 = arith.addf %dot_general3A_40, %add3A_44 : vector<2048x32xf32>
    %max3A_46 = arith.constant 0.000000e+00 : f32
    %max3A_47 = vector.broadcast %max3A_46 : f32 to vector<2048x32xf32>
    %max3A_48 = arith.maximumf %add3A_45, %max3A_47 : vector<2048x32xf32>
    %mul3A = arith.mulf %slice3A, %slice3A_6 : vector<2048x64xf32>
    %get3A_49 = arith.constant 0 : index
    %get3A_50 = arith.constant 0 : index
    %get3A_51 = vector.load %arg9[%get3A_49, %get3A_50] : memref<96x1xf32, #tpu.memory_space<vmem>>, vector<96x1xf32>
    %slice3A_52 = vector.extract_strided_slice %get3A_51 {offsets = [0, 0], sizes = [64, 1], strides = [1, 1]} : vector<96x1xf32> to vector<64x1xf32>
    %dot_general3A_53 = arith.constant dense<0.000000e+00> : vector<2048x1xf32>
    %dot_general3A_54 = tpu.matmul %mul3A, %slice3A_52, %dot_general3A_53 {dimension_numbers = #tpu.dot_dimension_numbers<[1], [0], [0], [1], [0, 0, 1, 1], [], []>, transpose_lhs_hint = false} : vector<2048x64xf32>, vector<64x1xf32>, vector<2048x1xf32> -> vector<2048x1xf32>
    %slice3A_55 = vector.extract_strided_slice %get3A_51 {offsets = [64, 0], sizes = [32, 1], strides = [1, 1]} : vector<96x1xf32> to vector<32x1xf32>
    %dot_general3A_56 = arith.constant dense<0.000000e+00> : vector<2048x1xf32>
    %dot_general3A_57 = tpu.matmul %max3A_48, %slice3A_55, %dot_general3A_56 {dimension_numbers = #tpu.dot_dimension_numbers<[1], [0], [0], [1], [0, 0, 1, 1], [], []>, transpose_lhs_hint = false} : vector<2048x32xf32>, vector<32x1xf32>, vector<2048x1xf32> -> vector<2048x1xf32>
    %add3A_58 = arith.addf %dot_general3A_54, %dot_general3A_57 : vector<2048x1xf32>
    %get3A_59 = arith.constant 0 : index
    %get3A_60 = arith.constant 0 : index
    %get3A_61 = vector.load %arg10[%get3A_59, %get3A_60] : memref<1x1xf32, #tpu.memory_space<vmem>>, vector<1x1xf32>
    %add3A_62 = vector.broadcast %get3A_61 : vector<1x1xf32> to vector<2048x1xf32>
    %add3A_63 = arith.addf %add3A_58, %add3A_62 : vector<2048x1xf32>
    %swap3A = arith.constant 0 : index
    %swap3A_64 = arith.constant 0 : index
    %swap3A_65 = vector.load %arg11[%swap3A, %swap3A_64] : memref<2048x1xf32, #tpu.memory_space<vmem>>, vector<2048x1xf32>
    tpu.vector_store %arg11[%swap3A, %swap3A_64], %add3A_63 {strides = array<i32>} : memref<2048x1xf32, #tpu.memory_space<vmem>>, vector<2048x1xf32>,
    return
  }
  func.func @transform_0(%arg0: i32) -> (i32, i32) {
    %c0_i32 = arith.constant 0 : i32
    %c0_i32_0 = arith.constant 0 : i32
    return %arg0, %c0_i32 : i32, i32
  }
  func.func @transform_1(%arg0: i32) -> (i32, i32) {
    %c0_i32 = arith.constant 0 : i32
    %c0_i32_0 = arith.constant 0 : i32
    return %arg0, %c0_i32 : i32, i32
  }
  func.func @transform_2(%arg0: i32) -> (i32, i32) {
    %c0_i32 = arith.constant 0 : i32
    %c0_i32_0 = arith.constant 0 : i32
    %c0_i32_1 = arith.constant 0 : i32
    return %c0_i32, %c0_i32_0 : i32, i32
  }
  func.func @transform_3(%arg0: i32) -> (i32, i32) {
    %c0_i32 = arith.constant 0 : i32
    %c0_i32_0 = arith.constant 0 : i32
    %c0_i32_1 = arith.constant 0 : i32
    return %c0_i32, %c0_i32_0 : i32, i32
  }
  func.func @transform_4(%arg0: i32) -> (i32, i32) {
    %c0_i32 = arith.constant 0 : i32
    %c0_i32_0 = arith.constant 0 : i32
    %c0_i32_1 = arith.constant 0 : i32
    return %c0_i32, %c0_i32_0 : i32, i32
  }
  func.func @transform_5(%arg0: i32) -> (i32, i32) {
    %c0_i32 = arith.constant 0 : i32
    %c0_i32_0 = arith.constant 0 : i32
    %c0_i32_1 = arith.constant 0 : i32
    return %c0_i32, %c0_i32_0 : i32, i32
  }
  func.func @transform_6(%arg0: i32) -> (i32, i32) {
    %c0_i32 = arith.constant 0 : i32
    %c0_i32_0 = arith.constant 0 : i32
    %c0_i32_1 = arith.constant 0 : i32
    return %c0_i32, %c0_i32_0 : i32, i32
  }
  func.func @transform_7(%arg0: i32) -> (i32, i32) {
    %c0_i32 = arith.constant 0 : i32
    %c0_i32_0 = arith.constant 0 : i32
    %c0_i32_1 = arith.constant 0 : i32
    return %c0_i32, %c0_i32_0 : i32, i32
  }
  func.func @transform_8(%arg0: i32) -> (i32, i32) {
    %c0_i32 = arith.constant 0 : i32
    %c0_i32_0 = arith.constant 0 : i32
    %c0_i32_1 = arith.constant 0 : i32
    return %c0_i32, %c0_i32_0 : i32, i32
  }
  func.func @transform_9(%arg0: i32) -> (i32, i32) {
    %c0_i32 = arith.constant 0 : i32
    %c0_i32_0 = arith.constant 0 : i32
    %c0_i32_1 = arith.constant 0 : i32
    return %c0_i32, %c0_i32_0 : i32, i32
  }
  func.func @transform_10(%arg0: i32) -> (i32, i32) {
    %c0_i32 = arith.constant 0 : i32
    %c0_i32_0 = arith.constant 0 : i32
    return %arg0, %c0_i32 : i32, i32
  }
}

</mosaic_0001>

<sc_bundles>
// kernel: kernel.5.cloned.1.call-start
scs
__scs_entry_jumppad:
0x0: {  	(pc) =	sbr.rel $0x88, $3  }
0x1: {  	(tag) =	ssettag $0x0;
	lr =	simm.s32 $0x1  }
0x2: {  	[smem:$0x3F93] =	sst lr;
	_ =	strace $0xD0000000  }
0x3: {  	_ = 	snop  }
0x4: {  	_ = 	snop  }
0x5: {  	_ = 	snop  }
0x6: {  	_ = 	snop  }
0x7: {  	_ = 	snop  }
__scs_overlays_trampoline_lowered:
0x8: {  	[smem:$0x3FA2] =	sst s0  }
0x9: {  	[smem:$0x3FA3] =	sst s1  }
0xa: {  	[smem:$0x3FA4] =	sst s2  }
0xb: {  	[smem:$0x3FA5] =	sst s3  }
0xc: {  	[smem:$0x3FA6] =	sst s4  }
0xd: {  	[smem:$0x3FA7] =	sst s5  }
0xe: {  	[smem:$0x3FA8] =	sst s6  }
0xf: {  	[smem:$0x3FA9] =	sst s7  }
0x10: {  	[smem:$0x3FAA] =	sst s8  }
0x11: {  	[smem:$0x3FAB] =	sst s9;
	s0 =	simm.s32 @!p0 $0x0  }
0x12: {  	s1 =	sld [smem:$0x3F91];
	s0 =	simm.s32 @p0 $0x1  }
0x13: {  	[smem:$0x3FAC] =	sst s0;
	s0 =	simm.s32 @!p1 $0x0  }
0x14: {  	s2 =	sld [smem:$0x3F90];
	s0 =	simm.s32 @p1 $0x1  }
0x15: {  	[smem:$0x3FAD] =	sst s0;
	s0 =	simm.s32 @!p2 $0x0  }
0x16: {  	s3 =	sld [smem:$0x3FDB];
	s0 =	simm.s32 @p2 $0x1  }
0x17: {  	s4 =	simm.s32 $0x1BF5;
	[smem:$0x3FAF] =	sst s0  }
0x18: {  	s0 =	sld [smem:$0x3F92];
	_ =	swait.ge [sflag:s4], $0x0  }
0x19: {  	s7 =	sld [smem:$0x3F93]  }
0x1a: {  	s8 =	sadd.s32 $0xFFFFE003, lr  }
0x1b: {  	s9 =	sadd.s32 $0xFFFFFEF7, lr;
	s5 =	simm.s32 $0xFFFFFFFF;
	p2 =	slt.u32 s8, $0xFFFFF086  }
0x1c: {  	p1 =	slt.u32 s9, $0xF7A;
	s5 =	simm.s32 @!p2 $0x0  }
0x1d: {  	s5 =	simm.s32 @p1 $0x1;
	p0 =	seq.s32 s7, s2  }
0x1e: {  	s7 =	smul.u32 @!p0 $0xF7A, s2;
	p2 =	seq.s32 @!p0 s5, $0x0  }
0x1f: {  	s9 =	smul.u32 $0xF7A, s1;
	s8 =	simm.s32 @!p0 $0x1BF5;
	p2 =	por !p2, p0  }
0x20: {  	[sflag:s8] =	ssyncset.s32 @!p0 $0xFFFFF086;
	s6 =	sadd.s32 @!p0 s3, s7;
	s7 =	simm.s32 @!p0 $0x108  }
0x21: {  	s3 =	sadd.s32 s3, s9;
	s6 =	sadd.s32 @!p0 $0x88, s6;
	s7 =	simm.s32 @p2 $0x1082  }
0x22: {  	[simem:s7], [sflag:s8] =	dma.local @!p0 [hbm:s6], $0xF7A  }
0x23: {  	s9 =	sor.u32 $0xD0000000, s2;
	s6 =	simm.s32 $0x108;
	_ =	swait.ge @!p0 [sflag:s8], $0x0  }
0x24: {  	s3 =	sadd.s32 $0x88, s3;
	s6 =	simm.s32 @!p1 $0x1082;
	[sflag:s4] =	ssyncset.s32 $0xFFFFF086  }
0x25: {  	[simem:s6], [sflag:s4] =	dma.local [hbm:s3], $0xF7A  }
0x26: {  	[smem:$0x3F93] =	sst s1;
	(tag) =	ssettag s2;
	_ =	strace s9  }
0x27: {  	s1 =	sld [smem:$0x3FA3]  }
0x28: {  	s2 =	sld [smem:$0x3FA4]  }
0x29: {  	s4 =	sld [smem:$0x3FA6]  }
0x2a: {  	p0 =	seq.s32 s5, $0x0;
	s5 =	sld [smem:$0x3FA7]  }
0x2b: {  	s6 =	sld [smem:$0x3FA8]  }
0x2c: {  	s7 =	sld [smem:$0x3FA9]  }
0x2d: {  	s3 =	simm.s32 $0x108;
	s8 =	sld [smem:$0x3FAA]  }
0x2e: {  	s3 =	simm.s32 @!p0 $0x1082;
	s9 =	sld [smem:$0x3FAB]  }
0x2f: {  	lr =	sadd.s32 s0, s3;
	s0 =	sld [smem:$0x3FA2]  }
0x30: {  	s3 =	sld [smem:$0x3FA5]  }
0x31: {  	[smem:$0x3FAE] =	sst s10  }
0x32: {  	s10 =	sld [smem:$0x3FAC];
	_ =	sdelay $0x3  }
0x33: {  	p0 =	seq.s32 s10, $0x1;
	s10 =	sld [smem:$0x3FAE];
	_ =	sdelay $0x3  }
0x34: {  	[smem:$0x3FAE] =	sst s10  }
0x35: {  	s10 =	sld [smem:$0x3FAD];
	_ =	sdelay $0x3  }
0x36: {  	p1 =	seq.s32 s10, $0x1;
	s10 =	sld [smem:$0x3FAE];
	_ =	sdelay $0x3  }
0x37: {  	[smem:$0x3FAE] =	sst s10  }
0x38: {  	s10 =	sld [smem:$0x3FAF]  }
0x39: {  	_ = 	snop;
	(pc) =	sbr.ind lr, $3  }
0x3a: {  	_ = 	snop  }
0x3b: {  	_ = 	snop  }
0x3c: {  	p2 =	seq.s32 s10, $0x1;
	s10 =	sld [smem:$0x3FAE]  }
0x3d: {  	_ =	shalt  }
0x3e: {  	_ =	shalt  }
0x3f: {  	_ =	shalt  }
0x40: {  	_ =	shalt  }
0x41: {  	_ =	shalt  }
0x42: {  	_ =	shalt  }
0x43: {  	_ =	shalt  }
0x44: {  	_ =	shalt  }
0x45: {  	_ =	shalt  }
0x46: {  	_ =	shalt  }
0x47: {  	_ =	shalt  }
0x48: {  	_ =	shalt  }
0x49: {  	_ =	shalt  }
0x4a: {  	_ =	shalt  }
0x4b: {  	_ =	shalt  }
0x4c: {  	_ =	shalt  }
0x4d: {  	_ =	shalt  }
0x4e: {  	_ =	shalt  }
0x4f: {  	_ =	shalt  }
0x50: {  	_ =	shalt  }
0x51: {  	_ =	shalt  }
0x52: {  	_ =	shalt  }
0x53: {  	_ =	shalt  }
0x54: {  	_ =	shalt  }
0x55: {  	_ =	shalt  }
0x56: {  	_ =	shalt  }
0x57: {  	_ =	shalt  }
0x58: {  	_ =	shalt  }
0x59: {  	_ =	shalt  }
0x5a: {  	_ =	shalt  }
0x5b: {  	_ =	shalt  }
0x5c: {  	_ =	shalt  }
0x5d: {  	_ =	shalt  }
0x5e: {  	_ =	shalt  }
0x5f: {  	_ =	shalt  }
0x60: {  	_ =	shalt  }
0x61: {  	_ =	shalt  }
0x62: {  	_ =	shalt  }
0x63: {  	_ =	shalt  }
0x64: {  	_ =	shalt  }
0x65: {  	_ =	shalt  }
0x66: {  	_ =	shalt  }
0x67: {  	_ =	shalt  }
0x68: {  	_ =	shalt  }
0x69: {  	_ =	shalt  }
0x6a: {  	_ =	shalt  }
0x6b: {  	_ =	shalt  }
0x6c: {  	_ =	shalt  }
0x6d: {  	_ =	shalt  }
0x6e: {  	_ =	shalt  }
0x6f: {  	_ =	shalt  }
0x70: {  	_ =	shalt  }
0x71: {  	_ =	shalt  }
0x72: {  	_ =	shalt  }
0x73: {  	_ =	shalt  }
0x74: {  	_ =	shalt  }
0x75: {  	_ =	shalt  }
0x76: {  	_ =	shalt  }
0x77: {  	_ =	shalt  }
0x78: {  	_ =	shalt  }
0x79: {  	_ =	shalt  }
0x7a: {  	_ =	shalt  }
0x7b: {  	_ =	shalt  }
0x7c: {  	_ =	shalt  }
0x7d: {  	_ =	shalt  }
0x7e: {  	_ =	shalt  }
0x7f: {  	_ =	shalt  }
0x80: {  	_ =	shalt  }
0x81: {  	_ =	shalt  }
0x82: {  	_ =	shalt  }
0x83: {  	_ =	shalt  }
0x84: {  	_ =	shalt  }
0x85: {  	_ =	shalt  }
0x86: {  	_ =	shalt  }
0x87: {  	_ =	shalt  }
.Lfunc_end0:
.L_simem_size_0:
called_computation_lowered:
.L_overlay_start_0:
0x88: {  	s2 =	sld [smem:$0x3FD9]  }
0x89: {  	s3 =	sld [smem:$0x3FFE];
	_ =	sdelay $0x1  }
0x8a: {  	s1 =	srdreg.scid  }
0x8b: {  	s0 =	sand.u32 $0x1, s1  }
0x8c: {  	s17 =	sshll.u32 s0, $0xA;
	s2 =	sadd.s32 s3, s2  }
0x8d: {  	s2 =	sadd.s32 s2, s17  }
0x8e: {  	[smem:$0x3FBA] =	sst s2  }
0x8f: {  	_ = 	snop  }
0x90: {  	s2 =	sld [smem:$0x3FC9];
	(tm) =	ssettm $0x1  }
0x91: {  	s18 =	sld [smem:$0x3FFB];
	_ =	sdelay $0x3  }
0x92: {  	_ =	strace s18  }
0x93: {  	s3 =	sld [smem:$0x3FFC];
	_ =	sdelay $0x3  }
0x94: {  	_ =	strace s3  }
0x95: {  	s3 =	sld [smem:$0x3FFD];
	_ =	sdelay $0x3  }
0x96: {  	_ =	strace s3  }
0x97: {  	_ =	strace $0x8FFFFFFF  }
0x98: {  	s19 =	sld [smem:$0x3FDB];
	_ =	sdelay $0x1  }
0x99: {  	s4 =	simm.s32 $_scs_section_size  }
0x9a: {  	s5 =	simm.s32 $_size__tile_overlayer_lowered;
	s6 =	simm.s32 $_tile_overlayer_lowered  }
0x9b: {  	s22 =	simm.s32 $0x1BFF;
	s21 =	sshll.u32 s6, $0x1;
	s3 =	sadd.s32 s4, s19  }
0x9c: {  	s7 =	simm.s32 $0x0;
	s20 =	sshll.u32 s5, $0x1;
	s5 =	sadd.s32 s21, s3  }
0x9d: {  	[timem:s7], [sflag:s22] =	dma.local [hbm:s5], s20  }
0x9e: {  	_ =	swait.ge [sflag:s22], s20  }
0x9f: {  	s4 =	ssub.s32 $0x0, s20;
	[sflag:s22] =	ssyncset.done $0x0  }
0xa0: {  	[sflag:s22] =	ssyncadd.s32 s4;
	_ =	sdelay $0x1  }
0xa1: {  	s23 =	simm.s32 $0x1B8B  }
0xa2: {  	_ =	swait.ge [sflag:s23], $0x1  }
0xa3: {  	[sflag:s23] =	ssyncset.done $0x0  }
0xa4: {  	s25 =	simm.s32 $0x1B8E;
	s24 =	sld [smem:$0x3FFE];
	[sflag:s23] =	ssyncadd.s32 $0xFFFFFFFF  }
0xa5: {  	s26 =	simm.s32 $execute0_lowered;
	[smem:$0x3FD2] =	sst s25  }
0xa6: {  	s5 =	sshll.u32 s26, $0x1;
	_ =	strace $0x80000046;
	[dreg:$0x1] =	wrdreg $0xFFFFFFFF  }
0xa7: {  	s28 =	simm.s32 $_size_execute0_lowered;
	s3 =	sadd.s32 s3, s5;
	[dreg:$0x0] =	wrdreg $0x0  }
0xa8: {  	s5 =	sshll.u32 s28, $0x1;
	[dreg:$0x2] =	wrdreg s3  }
0xa9: {  	[dreg:$0x3] =	wrdreg s5  }
0xaa: {  	[dreg:$0x4] =	wrdreg $0xC0  }
0xab: {  	_ =	task [dreg:s7], $0x5FFFF  }
0xac: {  	[dreg:$0x1] =	wrdreg $0xFFFFFFFF  }
0xad: {  	[dreg:$0x0] =	wrdreg $0x60  }
0xae: {  	[dreg:$0x2] =	wrdreg s2  }
0xaf: {  	[dreg:$0x3] =	wrdreg s24  }
0xb0: {  	[dreg:$0x4] =	wrdreg $0x9  }
0xb1: {  	_ =	task.clear_ibuf [dreg:s7], $0x5FFFF;
	_ =	strace $0x90000046  }
0xb2: {  	s29 =	simm.s32 $0x9;
	_ =	strace $0x80000048  }
0xb3: {  	_ =	swait.ge [sflag:s29], $0x1  }
0xb4: {  	[sflag:s29] =	ssyncadd.s32 $0xFFFFFFFF  }
0xb5: {  	_ =	strace $0x90000048  }
0xb6: {  	_ =	sfence  }
0xb7: {  	s30 =	sld [smem:$0x0];
	_ =	sdelay $0x2  }
0xb8: {  	s31 =	sshll.u32 s1, $0xD;
	s1 =	sshrl.u32 s1, $0x2  }
0xb9: {  	s3 =	sand.u32 $0x4000, s31;
	s1 =	sadd.s32 s1, s30  }
0xba: {  	s0 =	sor.u32 s3, s0;
	s1 =	sshll.u32 s1, $0x11  }
0xbb: {  	s0 =	sor.u32 s1, s0  }
0xbc: {  	s0 =	sadd.s32 $0x8F2B, s0  }
0xbd: {  	[sflag:s0] =	ssyncadd.remote.s32 $0x1  }
0xbe: {  	_ =	sfence.sel $0xFFFF  }
0xbf: {  	[dreg:$0x0] =	wrdreg $0xFFFFFFFF;
	(pc) =	sbr.abs _section_cstart, $3  }
0xc0: {  	[dreg:$0x1] =	wrdreg $0xFFFFFFFF  }
0xc1: {  	_ =	task.clear_ibuf [dreg:s7], $0x2FFFF;
	_ =	strace $0x9FFFFFFF  }
0xc2: {  	(tm) =	ssettm $0x7FFFFFFF  }
0xc3: {  	_ =	shalt  }
tec
execute0_lowered:
.L_overlay_start_1:
0x0: {  	(tag) =	ssettag $0x1  }
0x1: {  	s1 =	srdreg.scid  }
0x2: {  	s3 =	rddreg [dreg:$0x0];
	s0 =	stileid.u32;
	s12 =	sand.u32 $0x1, s1  }
0x3: {  	s10 =	rddreg [dreg:$0x1];
	s4 =	sshll.u32 s0, $0xA;
	s5 =	sshll.u32 s12, $0x9  }
0x4: {  	s2 =	simm.s32 $0x0;
	s1 =	rddreg [dreg:$0x2];
	s11 =	sor.u32 s5, s4  }
0x5: {  	[smem:$0x7FF] =	sst s2;
	s4 =	sshrl.u32 s11, $0x3  }
0x6: {  	_ =	strace $0x80000047;
	s3 =	sadd.s32 s3, s4;
	s4 =	simm.s32 $0x5  }
0x7: {  	[tilespmem:s2], [sflag:$0x5] =	stream.linear.gather [hbm4b:s3+s2], $0x200, $0x38;
	[tilespmem:$0x10200] =	vst v63  }
0x8: {  	_ =	swait.ge [sflag:s4], $0x200  }
0x9: {  	s6 =	simm.s32 $0x100;
	[sflag:s4] =	ssyncset.done $0x0  }
0xa: {  	s7 =	simm.s32 $0x200;
	s5 =	sadd.s32 $0x1E85C00, s10;
	[sflag:s4] =	ssyncadd.s32 $0xFFFFFE00  }
0xb: {  	[tilespmem:s7], [sflag:$0x1] =	stream.indirect.gather [hbm4b:s5+s6], $0x80, s2, s6, $0xb8;
	[tilespmem:$0x10200] =	vst v63  }
0xc: {  	s8 =	simm.s32 $0x8200;
	s9 =	simm.s32 $0x1  }
0xd: {  	[tilespmem:s8], [sflag:$0x2] =	stream.indirect.gather [hbm4b:s5+s6], $0x80, s6, s6, $0xb8;
	[tilespmem:$0x10200] =	vst v63  }
0xe: {  	s14 =	ssub.s32 $0x2, s12;
	s11 =	sshll.u32 s11, $0x4;
	_ =	swait.ge [sflag:s9], $0x8000  }
0xf: {  	s15 =	sshrl.u32 s14, $0x1;
	s13 =	sadd.s32 s11, s10;
	[sflag:s9] =	ssyncset.done $0x0  }
0x10: {  	s11 =	simm.s32 $0x2;
	s10 =	sadd.s32 $0x1400, s13;
	[sflag:s9] =	ssyncadd.s32 $0xFFFF8000  }
0x11: {  	[hbm4b:s10+s2] =	stream.linear.scatter [tilespmem:s7], [sflag:$0x3], $0x8000, $0x38;
	[tilespmem:$0x10200] =	vst v63  }
0x12: {  	s14 =	ssub.s32 s14, s15;
	_ =	swait.ge [sflag:s11], $0x8000  }
0x13: {  	s15 =	smax.u32 s14, $0x1;
	s12 =	sadd.s32 $0x2400, s13;
	[sflag:s11] =	ssyncset.done $0x0  }
0x14: {  	s13 =	simm.s32 $0x3;
	p0 =	sne.s32 s15, $0x1;
	[sflag:s11] =	ssyncadd.s32 $0xFFFF8000  }
0x15: {  	[hbm4b:s12+s2] =	stream.linear.scatter [tilespmem:s8], [sflag:$0x4], $0x8000, $0x38;
	[tilespmem:$0x10200] =	vst v63  }
.Ltmp0:
0x16: {  	_ =	swait.ge [sflag:s13], $0x8000;
	(pc) =	sbr.rel @!p0 .LBB2_2-.Ltmp0, $4  }
0x17: {  	[sflag:s13] =	ssyncset.done $0x0  }
0x18: {  	s14 =	simm.s32 $0x4;
	[sflag:s13] =	ssyncadd.s32 $0xFFFF8000  }
0x19: {  	_ =	swait.ge [sflag:s14], $0x8000  }
0x1a: {  	s15 =	sadd.s32 $0xFFFFFFFF, s15;
	[sflag:s14] =	ssyncset.done $0x0  }
.LBB2_1:
0x1b: {  	p0 =	sne.s32 s15, $0x1;
	s15 =	sadd.s32 $0xFFFFFFFF, s15;
	[sflag:s14] =	ssyncadd.s32 $0xFFFF8000  }
0x1c: {  	[tilespmem:s2], [sflag:$0x5] =	stream.linear.gather [hbm4b:s3+s2], $0x200, $0x38;
	[tilespmem:$0x10200] =	vst v63  }
0x1d: {  	_ =	swait.ge [sflag:s4], $0x200  }
0x1e: {  	[sflag:s4] =	ssyncset.done $0x0  }
0x1f: {  	[sflag:s4] =	ssyncadd.s32 $0xFFFFFE00  }
0x20: {  	[tilespmem:s7], [sflag:$0x1] =	stream.indirect.gather [hbm4b:s5+s6], $0x80, s2, s6, $0xb8;
	[tilespmem:$0x10200] =	vst v63  }
0x21: {  	_ = 	snop  }
0x22: {  	[tilespmem:s8], [sflag:$0x2] =	stream.indirect.gather [hbm4b:s5+s6], $0x80, s6, s6, $0xb8;
	[tilespmem:$0x10200] =	vst v63  }
0x23: {  	_ =	swait.ge [sflag:s9], $0x8000  }
0x24: {  	[sflag:s9] =	ssyncset.done $0x0  }
0x25: {  	[sflag:s9] =	ssyncadd.s32 $0xFFFF8000  }
0x26: {  	[hbm4b:s10+s2] =	stream.linear.scatter [tilespmem:s7], [sflag:$0x3], $0x8000, $0x38;
	[tilespmem:$0x10200] =	vst v63  }
0x27: {  	_ =	swait.ge [sflag:s11], $0x8000  }
0x28: {  	[sflag:s11] =	ssyncset.done $0x0  }
0x29: {  	[sflag:s11] =	ssyncadd.s32 $0xFFFF8000  }
0x2a: {  	[hbm4b:s12+s2] =	stream.linear.scatter [tilespmem:s8], [sflag:$0x4], $0x8000, $0x38;
	[tilespmem:$0x10200] =	vst v63  }
.Ltmp1:
0x2b: {  	_ =	swait.ge [sflag:s13], $0x8000;
	(pc) =	sbr.rel @p0 .LBB2_1-.Ltmp1, $4  }
0x2c: {  	[sflag:s13] =	ssyncset.done $0x0  }
0x2d: {  	[sflag:s13] =	ssyncadd.s32 $0xFFFF8000  }
0x2e: {  	_ =	swait.ge [sflag:s14], $0x8000  }
0x2f: {  	[sflag:s14] =	ssyncset.done $0x0  }
.LBB2_2:
0x30: {  	[sflag:s14] =	ssyncadd.s32 $0xFFFF8000  }
0x31: {  	_ =	sfence.sel $0x180000  }
0x32: {  	[bflag:$0x0] =	sbarrier.arrive $0xFFFF  }
0x33: {  	p0 =	sne.s32 s0, $0x0;
	_ =	strace $0x90000047  }
0x34: {  	s0 =	sadd.s32 @!p0 $0x100000, s1;
	[bflag:$0x2] =	sbarrier.arrive $0xFFFF  }
0x35: {  	[sflag:s0] =	ssyncadd.tile.s32 @!p0 $0x1;
	_ =	shalt  }
.Lfunc_end2:
_tile_overlayer_lowered:
.L_overlay_start_2:
0x36: {  	(tag) =	ssettag $0x2  }
0x37: {  	s0 =	rddreg [dreg:$0x0];
	s2 =	stileid.u32  }
0x38: {  	s1 =	rddreg [dreg:$0x1];
	p0 =	sne.s32 s2, $0x0  }
0x39: {  	s3 =	rddreg [dreg:$0x2];
	[bflag:$0x3] =	sbarrier.arrive $0xFFFF;
	s2 =	simm.s32 @!p0 $0x1C05  }
0x3a: {  	[timem:s3], [sflag:s2] =	dma.local @!p0 [hbm:s0], s1  }
0x3b: {  	s0 =	simm.s32 @!p0 $0x5  }
0x3c: {  	_ =	swait.ge @!p0 [sflag:s0], s1  }
0x3d: {  	s1 =	ssub.s32 @!p0 $0x0, s1;
	[sflag:s0] =	ssyncset.done @!p0 $0x0  }
0x3e: {  	[sflag:s0] =	ssyncadd.s32 @!p0 s1  }
0x3f: {  	[bflag:$0x3] =	sbarrier.arrive $0xFFFF  }
0x40: {  	_ =	shalt  }

// kernel: kernel.8.cloned.1.call-start
scs
__scs_entry_jumppad:
0x0: {  	(pc) =	sbr.rel $0x88, $3  }
0x1: {  	(tag) =	ssettag $0x0;
	lr =	simm.s32 $0x1  }
0x2: {  	[smem:$0x3F93] =	sst lr;
	_ =	strace $0xD0000000  }
0x3: {  	_ = 	snop  }
0x4: {  	_ = 	snop  }
0x5: {  	_ = 	snop  }
0x6: {  	_ = 	snop  }
0x7: {  	_ = 	snop  }
__scs_overlays_trampoline_lowered:
0x8: {  	[smem:$0x3FA2] =	sst s0  }
0x9: {  	[smem:$0x3FA3] =	sst s1  }
0xa: {  	[smem:$0x3FA4] =	sst s2  }
0xb: {  	[smem:$0x3FA5] =	sst s3  }
0xc: {  	[smem:$0x3FA6] =	sst s4  }
0xd: {  	[smem:$0x3FA7] =	sst s5  }
0xe: {  	[smem:$0x3FA8] =	sst s6  }
0xf: {  	[smem:$0x3FA9] =	sst s7  }
0x10: {  	[smem:$0x3FAA] =	sst s8  }
0x11: {  	[smem:$0x3FAB] =	sst s9;
	s0 =	simm.s32 @!p0 $0x0  }
0x12: {  	s1 =	sld [smem:$0x3F91];
	s0 =	simm.s32 @p0 $0x1  }
0x13: {  	[smem:$0x3FAC] =	sst s0;
	s0 =	simm.s32 @!p1 $0x0  }
0x14: {  	s2 =	sld [smem:$0x3F90];
	s0 =	simm.s32 @p1 $0x1  }
0x15: {  	[smem:$0x3FAD] =	sst s0;
	s0 =	simm.s32 @!p2 $0x0  }
0x16: {  	s3 =	sld [smem:$0x3FDB];
	s0 =	simm.s32 @p2 $0x1  }
0x17: {  	s4 =	simm.s32 $0x1BF5;
	[smem:$0x3FAF] =	sst s0  }
0x18: {  	s0 =	sld [smem:$0x3F92];
	_ =	swait.ge [sflag:s4], $0x0  }
0x19: {  	s7 =	sld [smem:$0x3F93]  }
0x1a: {  	s8 =	sadd.s32 $0xFFFFE003, lr  }
0x1b: {  	s9 =	sadd.s32 $0xFFFFFEF7, lr;
	s5 =	simm.s32 $0xFFFFFFFF;
	p2 =	slt.u32 s8, $0xFFFFF086  }
0x1c: {  	p1 =	slt.u32 s9, $0xF7A;
	s5 =	simm.s32 @!p2 $0x0  }
0x1d: {  	s5 =	simm.s32 @p1 $0x1;
	p0 =	seq.s32 s7, s2  }
0x1e: {  	s7 =	smul.u32 @!p0 $0xF7A, s2;
	p2 =	seq.s32 @!p0 s5, $0x0  }
0x1f: {  	s9 =	smul.u32 $0xF7A, s1;
	s8 =	simm.s32 @!p0 $0x1BF5;
	p2 =	por !p2, p0  }
0x20: {  	[sflag:s8] =	ssyncset.s32 @!p0 $0xFFFFF086;
	s6 =	sadd.s32 @!p0 s3, s7;
	s7 =	simm.s32 @!p0 $0x108  }
0x21: {  	s3 =	sadd.s32 s3, s9;
	s6 =	sadd.s32 @!p0 $0x88, s6;
	s7 =	simm.s32 @p2 $0x1082  }
0x22: {  	[simem:s7], [sflag:s8] =	dma.local @!p0 [hbm:s6], $0xF7A  }
0x23: {  	s9 =	sor.u32 $0xD0000000, s2;
	s6 =	simm.s32 $0x108;
	_ =	swait.ge @!p0 [sflag:s8], $0x0  }
0x24: {  	s3 =	sadd.s32 $0x88, s3;
	s6 =	simm.s32 @!p1 $0x1082;
	[sflag:s4] =	ssyncset.s32 $0xFFFFF086  }
0x25: {  	[simem:s6], [sflag:s4] =	dma.local [hbm:s3], $0xF7A  }
0x26: {  	[smem:$0x3F93] =	sst s1;
	(tag) =	ssettag s2;
	_ =	strace s9  }
0x27: {  	s1 =	sld [smem:$0x3FA3]  }
0x28: {  	s2 =	sld [smem:$0x3FA4]  }
0x29: {  	s4 =	sld [smem:$0x3FA6]  }
0x2a: {  	p0 =	seq.s32 s5, $0x0;
	s5 =	sld [smem:$0x3FA7]  }
0x2b: {  	s6 =	sld [smem:$0x3FA8]  }
0x2c: {  	s7 =	sld [smem:$0x3FA9]  }
0x2d: {  	s3 =	simm.s32 $0x108;
	s8 =	sld [smem:$0x3FAA]  }
0x2e: {  	s3 =	simm.s32 @!p0 $0x1082;
	s9 =	sld [smem:$0x3FAB]  }
0x2f: {  	lr =	sadd.s32 s0, s3;
	s0 =	sld [smem:$0x3FA2]  }
0x30: {  	s3 =	sld [smem:$0x3FA5]  }
0x31: {  	[smem:$0x3FAE] =	sst s10  }
0x32: {  	s10 =	sld [smem:$0x3FAC];
	_ =	sdelay $0x3  }
0x33: {  	p0 =	seq.s32 s10, $0x1;
	s10 =	sld [smem:$0x3FAE];
	_ =	sdelay $0x3  }
0x34: {  	[smem:$0x3FAE] =	sst s10  }
0x35: {  	s10 =	sld [smem:$0x3FAD];
	_ =	sdelay $0x3  }
0x36: {  	p1 =	seq.s32 s10, $0x1;
	s10 =	sld [smem:$0x3FAE];
	_ =	sdelay $0x3  }
0x37: {  	[smem:$0x3FAE] =	sst s10  }
0x38: {  	s10 =	sld [smem:$0x3FAF]  }
0x39: {  	_ = 	snop;
	(pc) =	sbr.ind lr, $3  }
0x3a: {  	_ = 	snop  }
0x3b: {  	_ = 	snop  }
0x3c: {  	p2 =	seq.s32 s10, $0x1;
	s10 =	sld [smem:$0x3FAE]  }
0x3d: {  	_ =	shalt  }
0x3e: {  	_ =	shalt  }
0x3f: {  	_ =	shalt  }
0x40: {  	_ =	shalt  }
0x41: {  	_ =	shalt  }
0x42: {  	_ =	shalt  }
0x43: {  	_ =	shalt  }
0x44: {  	_ =	shalt  }
0x45: {  	_ =	shalt  }
0x46: {  	_ =	shalt  }
0x47: {  	_ =	shalt  }
0x48: {  	_ =	shalt  }
0x49: {  	_ =	shalt  }
0x4a: {  	_ =	shalt  }
0x4b: {  	_ =	shalt  }
0x4c: {  	_ =	shalt  }
0x4d: {  	_ =	shalt  }
0x4e: {  	_ =	shalt  }
0x4f: {  	_ =	shalt  }
0x50: {  	_ =	shalt  }
0x51: {  	_ =	shalt  }
0x52: {  	_ =	shalt  }
0x53: {  	_ =	shalt  }
0x54: {  	_ =	shalt  }
0x55: {  	_ =	shalt  }
0x56: {  	_ =	shalt  }
0x57: {  	_ =	shalt  }
0x58: {  	_ =	shalt  }
0x59: {  	_ =	shalt  }
0x5a: {  	_ =	shalt  }
0x5b: {  	_ =	shalt  }
0x5c: {  	_ =	shalt  }
0x5d: {  	_ =	shalt  }
0x5e: {  	_ =	shalt  }
0x5f: {  	_ =	shalt  }
0x60: {  	_ =	shalt  }
0x61: {  	_ =	shalt  }
0x62: {  	_ =	shalt  }
0x63: {  	_ =	shalt  }
0x64: {  	_ =	shalt  }
0x65: {  	_ =	shalt  }
0x66: {  	_ =	shalt  }
0x67: {  	_ =	shalt  }
0x68: {  	_ =	shalt  }
0x69: {  	_ =	shalt  }
0x6a: {  	_ =	shalt  }
0x6b: {  	_ =	shalt  }
0x6c: {  	_ =	shalt  }
0x6d: {  	_ =	shalt  }
0x6e: {  	_ =	shalt  }
0x6f: {  	_ =	shalt  }
0x70: {  	_ =	shalt  }
0x71: {  	_ =	shalt  }
0x72: {  	_ =	shalt  }
0x73: {  	_ =	shalt  }
0x74: {  	_ =	shalt  }
0x75: {  	_ =	shalt  }
0x76: {  	_ =	shalt  }
0x77: {  	_ =	shalt  }
0x78: {  	_ =	shalt  }
0x79: {  	_ =	shalt  }
0x7a: {  	_ =	shalt  }
0x7b: {  	_ =	shalt  }
0x7c: {  	_ =	shalt  }
0x7d: {  	_ =	shalt  }
0x7e: {  	_ =	shalt  }
0x7f: {  	_ =	shalt  }
0x80: {  	_ =	shalt  }
0x81: {  	_ =	shalt  }
0x82: {  	_ =	shalt  }
0x83: {  	_ =	shalt  }
0x84: {  	_ =	shalt  }
0x85: {  	_ =	shalt  }
0x86: {  	_ =	shalt  }
0x87: {  	_ =	shalt  }
.Lfunc_end0:
.L_simem_size_0:
called_computation.1_lowered:
.L_overlay_start_0:
0x88: {  	s2 =	sld [smem:$0x3FD9]  }
0x89: {  	s3 =	sld [smem:$0x3FFE];
	_ =	sdelay $0x1  }
0x8a: {  	s1 =	srdreg.scid  }
0x8b: {  	s0 =	sand.u32 $0x1, s1  }
0x8c: {  	s17 =	sshll.u32 s0, $0xA;
	s2 =	sadd.s32 s3, s2  }
0x8d: {  	s2 =	sadd.s32 s2, s17  }
0x8e: {  	[smem:$0x3FBA] =	sst s2  }
0x8f: {  	_ = 	snop  }
0x90: {  	s18 =	sld [smem:$0x3FC8];
	(tm) =	ssettm $0x1  }
0x91: {  	s19 =	sld [smem:$0x3FFB];
	_ =	sdelay $0x3  }
0x92: {  	_ =	strace s19  }
0x93: {  	s2 =	sld [smem:$0x3FFC];
	_ =	sdelay $0x3  }
0x94: {  	_ =	strace s2  }
0x95: {  	s2 =	sld [smem:$0x3FFD];
	_ =	sdelay $0x3  }
0x96: {  	_ =	strace s2  }
0x97: {  	_ =	strace $0x8FFFFFFF  }
0x98: {  	s20 =	sld [smem:$0x3FDB];
	_ =	sdelay $0x1  }
0x99: {  	s4 =	simm.s32 $_scs_section_size  }
0x9a: {  	s5 =	simm.s32 $_size__tile_overlayer_lowered;
	s6 =	simm.s32 $_tile_overlayer_lowered  }
0x9b: {  	s7 =	simm.s32 $0x1BFF;
	s21 =	sshll.u32 s6, $0x1;
	s4 =	sadd.s32 s4, s20  }
0x9c: {  	s22 =	simm.s32 $0x0;
	s5 =	sshll.u32 s5, $0x1;
	s6 =	sadd.s32 s21, s4  }
0x9d: {  	[timem:s22], [sflag:s7] =	dma.local [hbm:s6], s5  }
0x9e: {  	_ =	swait.ge [sflag:s7], s5  }
0x9f: {  	s5 =	ssub.s32 $0x0, s5;
	[sflag:s7] =	ssyncset.done $0x0  }
0xa0: {  	[sflag:s7] =	ssyncadd.s32 s5;
	_ =	sdelay $0x1  }
0xa1: {  	s23 =	simm.s32 $0x1B8B  }
0xa2: {  	_ =	swait.ge [sflag:s23], $0x1  }
0xa3: {  	[sflag:s23] =	ssyncset.done $0x0  }
0xa4: {  	[sflag:s23] =	ssyncadd.s32 $0xFFFFFFFF  }
0xa5: {  	s5 =	sld [smem:$0x0]  }
0xa6: {  	s6 =	sand.u32 $0xFFFFFFFE, s1  }
0xa7: {  	p0 =	sne.s32 s1, s6  }
0xa8: {  	s6 =	sshll.u32 @p0 s6, $0xE  }
0xa9: {  	s6 =	sadd.s32 @p0 $0x11B8D, s6;
	s7 =	sshll.u32 @p0 s5, $0x11  }
0xaa: {  	s6 =	sor.u32 @p0 s7, s6  }
0xab: {  	[sflag:s6] =	ssyncadd.remote.s32 @p0 $0x1;
	_ =	sdelay $0x1  }
0xac: {  	s6 =	simm.s32 @p0 $0x1B8D  }
0xad: {  	_ =	swait.eq @p0 [sflag:s6], $0x1  }
0xae: {  	[sflag:s6] =	ssyncadd.s32 @p0 $0xFFFFFFFF  }
0xaf: {  	s7 =	sshll.u32 @!p0 s1, $0xE  }
0xb0: {  	s7 =	sor.u32 @!p0 $0x4000, s7;
	s6 =	simm.s32 @!p0 $0x1B8D  }
0xb1: {  	s5 =	sshll.u32 @!p0 s5, $0x11;
	s7 =	sadd.s32 @!p0 $0x11B8D, s7;
	_ =	swait.eq @!p0 [sflag:s6], $0x1  }
0xb2: {  	s5 =	sor.u32 @!p0 s5, s7;
	[sflag:s6] =	ssyncadd.s32 @!p0 $0xFFFFFFFF  }
0xb3: {  	s25 =	simm.s32 $0x1B8E;
	s24 =	sld [smem:$0x3FFE];
	[sflag:s5] =	ssyncadd.remote.s32 @!p0 $0x1  }
0xb4: {  	s26 =	simm.s32 $execute0_lowered;
	[smem:$0x3FD2] =	sst s25  }
0xb5: {  	s6 =	sshll.u32 s26, $0x1;
	_ =	strace $0x80000049;
	[dreg:$0x1] =	wrdreg $0xFFFFFFFF  }
0xb6: {  	s28 =	simm.s32 $_size_execute0_lowered;
	s4 =	sadd.s32 s4, s6;
	[dreg:$0x0] =	wrdreg $0x0  }
0xb7: {  	s6 =	sshll.u32 s28, $0x1;
	[dreg:$0x2] =	wrdreg s4  }
0xb8: {  	[dreg:$0x3] =	wrdreg s6  }
0xb9: {  	[dreg:$0x4] =	wrdreg $0xC0  }
0xba: {  	_ =	task [dreg:s22], $0x5FFFF  }
0xbb: {  	[dreg:$0x1] =	wrdreg $0xFFFFFFFF  }
0xbc: {  	[dreg:$0x0] =	wrdreg $0x60  }
0xbd: {  	[dreg:$0x2] =	wrdreg s18  }
0xbe: {  	[dreg:$0x3] =	wrdreg s24  }
0xbf: {  	[dreg:$0x4] =	wrdreg $0xA  }
0xc0: {  	_ =	task.clear_ibuf [dreg:s22], $0x5FFFF;
	_ =	strace $0x90000049  }
0xc1: {  	s29 =	simm.s32 $0xA;
	_ =	strace $0x8000004B  }
0xc2: {  	_ =	swait.ge [sflag:s29], $0x1  }
0xc3: {  	[sflag:s29] =	ssyncadd.s32 $0xFFFFFFFF  }
0xc4: {  	_ =	strace $0x9000004B  }
0xc5: {  	_ =	sfence  }
0xc6: {  	s30 =	sld [smem:$0x0];
	_ =	sdelay $0x2  }
0xc7: {  	s31 =	sshll.u32 s1, $0xD;
	s1 =	sshrl.u32 s1, $0x2  }
0xc8: {  	s4 =	sand.u32 $0x4000, s31;
	s1 =	sadd.s32 s1, s30  }
0xc9: {  	s0 =	sor.u32 s4, s0;
	s1 =	sshll.u32 s1, $0x11  }
0xca: {  	s0 =	sor.u32 s1, s0  }
0xcb: {  	s0 =	sadd.s32 $0x8F2B, s0  }
0xcc: {  	[sflag:s0] =	ssyncadd.remote.s32 $0x1  }
0xcd: {  	_ =	sfence.sel $0xFFFF  }
0xce: {  	[dreg:$0x0] =	wrdreg $0xFFFFFFFF;
	(pc) =	sbr.abs _section_cstart, $3  }
0xcf: {  	[dreg:$0x1] =	wrdreg $0xFFFFFFFF  }
0xd0: {  	_ =	task.clear_ibuf [dreg:s22], $0x2FFFF;
	_ =	strace $0x9FFFFFFF  }
0xd1: {  	(tm) =	ssettm $0x7FFFFFFF  }
tec
execute0_lowered:
.L_overlay_start_1:
0x0: {  	(tag) =	ssettag $0x1  }
0x1: {  	s1 =	srdreg.scid  }
0x2: {  	s3 =	rddreg [dreg:$0x0];
	s0 =	stileid.u32;
	s12 =	sand.u32 $0x1, s1  }
0x3: {  	s10 =	rddreg [dreg:$0x1];
	s4 =	sshll.u32 s0, $0xA;
	s5 =	sshll.u32 s12, $0x9  }
0x4: {  	s2 =	simm.s32 $0x0;
	s1 =	rddreg [dreg:$0x2];
	s11 =	sor.u32 s5, s4  }
0x5: {  	[smem:$0x7FF] =	sst s2;
	s4 =	sshrl.u32 s11, $0x3  }
0x6: {  	_ =	strace $0x8000004A;
	s3 =	sadd.s32 s3, s4;
	s4 =	simm.s32 $0x5  }
0x7: {  	[tilespmem:s2], [sflag:$0x5] =	stream.linear.gather [hbm4b:s3+s2], $0x200, $0x38;
	[tilespmem:$0x10200] =	vst v63  }
0x8: {  	_ =	swait.ge [sflag:s4], $0x200  }
0x9: {  	s6 =	simm.s32 $0x100;
	[sflag:s4] =	ssyncset.done $0x0  }
0xa: {  	s7 =	simm.s32 $0x200;
	s5 =	sadd.s32 $0x3D0A400, s10;
	[sflag:s4] =	ssyncadd.s32 $0xFFFFFE00  }
0xb: {  	[tilespmem:s7], [sflag:$0x1] =	stream.indirect.gather [hbm4b:s5+s6], $0x80, s2, s6, $0xb8;
	[tilespmem:$0x10200] =	vst v63  }
0xc: {  	s8 =	simm.s32 $0x8200;
	s9 =	simm.s32 $0x1  }
0xd: {  	[tilespmem:s8], [sflag:$0x2] =	stream.indirect.gather [hbm4b:s5+s6], $0x80, s6, s6, $0xb8;
	[tilespmem:$0x10200] =	vst v63  }
0xe: {  	s14 =	ssub.s32 $0x2, s12;
	s11 =	sshll.u32 s11, $0x4;
	_ =	swait.ge [sflag:s9], $0x8000  }
0xf: {  	s15 =	sshrl.u32 s14, $0x1;
	s13 =	sadd.s32 s11, s10;
	[sflag:s9] =	ssyncset.done $0x0  }
0x10: {  	s11 =	simm.s32 $0x2;
	s10 =	sadd.s32 $0x2DC8000, s13;
	[sflag:s9] =	ssyncadd.s32 $0xFFFF8000  }
0x11: {  	[hbm4b:s10+s2] =	stream.linear.scatter [tilespmem:s7], [sflag:$0x3], $0x8000, $0x38;
	[tilespmem:$0x10200] =	vst v63  }
0x12: {  	s14 =	ssub.s32 s14, s15;
	_ =	swait.ge [sflag:s11], $0x8000  }
0x13: {  	s15 =	smax.u32 s14, $0x1;
	s12 =	sadd.s32 $0x2DC9000, s13;
	[sflag:s11] =	ssyncset.done $0x0  }
0x14: {  	s13 =	simm.s32 $0x3;
	p0 =	sne.s32 s15, $0x1;
	[sflag:s11] =	ssyncadd.s32 $0xFFFF8000  }
0x15: {  	[hbm4b:s12+s2] =	stream.linear.scatter [tilespmem:s8], [sflag:$0x4], $0x8000, $0x38;
	[tilespmem:$0x10200] =	vst v63  }
.Ltmp0:
0x16: {  	_ =	swait.ge [sflag:s13], $0x8000;
	(pc) =	sbr.rel @!p0 .LBB2_2-.Ltmp0, $4  }
0x17: {  	[sflag:s13] =	ssyncset.done $0x0  }
0x18: {  	s14 =	simm.s32 $0x4;
	[sflag:s13] =	ssyncadd.s32 $0xFFFF8000  }
0x19: {  	_ =	swait.ge [sflag:s14], $0x8000  }
0x1a: {  	s15 =	sadd.s32 $0xFFFFFFFF, s15;
	[sflag:s14] =	ssyncset.done $0x0  }
.LBB2_1:
0x1b: {  	p0 =	sne.s32 s15, $0x1;
	s15 =	sadd.s32 $0xFFFFFFFF, s15;
	[sflag:s14] =	ssyncadd.s32 $0xFFFF8000  }
0x1c: {  	[tilespmem:s2], [sflag:$0x5] =	stream.linear.gather [hbm4b:s3+s2], $0x200, $0x38;
	[tilespmem:$0x10200] =	vst v63  }
0x1d: {  	_ =	swait.ge [sflag:s4], $0x200  }
0x1e: {  	[sflag:s4] =	ssyncset.done $0x0  }
0x1f: {  	[sflag:s4] =	ssyncadd.s32 $0xFFFFFE00  }
0x20: {  	[tilespmem:s7], [sflag:$0x1] =	stream.indirect.gather [hbm4b:s5+s6], $0x80, s2, s6, $0xb8;
	[tilespmem:$0x10200] =	vst v63  }
0x21: {  	_ = 	snop  }
0x22: {  	[tilespmem:s8], [sflag:$0x2] =	stream.indirect.gather [hbm4b:s5+s6], $0x80, s6, s6, $0xb8;
	[tilespmem:$0x10200] =	vst v63  }
0x23: {  	_ =	swait.ge [sflag:s9], $0x8000  }
0x24: {  	[sflag:s9] =	ssyncset.done $0x0  }
0x25: {  	[sflag:s9] =	ssyncadd.s32 $0xFFFF8000  }
0x26: {  	[hbm4b:s10+s2] =	stream.linear.scatter [tilespmem:s7], [sflag:$0x3], $0x8000, $0x38;
	[tilespmem:$0x10200] =	vst v63  }
0x27: {  	_ =	swait.ge [sflag:s11], $0x8000  }
0x28: {  	[sflag:s11] =	ssyncset.done $0x0  }
0x29: {  	[sflag:s11] =	ssyncadd.s32 $0xFFFF8000  }
0x2a: {  	[hbm4b:s12+s2] =	stream.linear.scatter [tilespmem:s8], [sflag:$0x4], $0x8000, $0x38;
	[tilespmem:$0x10200] =	vst v63  }
.Ltmp1:
0x2b: {  	_ =	swait.ge [sflag:s13], $0x8000;
	(pc) =	sbr.rel @p0 .LBB2_1-.Ltmp1, $4  }
0x2c: {  	[sflag:s13] =	ssyncset.done $0x0  }
0x2d: {  	[sflag:s13] =	ssyncadd.s32 $0xFFFF8000  }
0x2e: {  	_ =	swait.ge [sflag:s14], $0x8000  }
0x2f: {  	[sflag:s14] =	ssyncset.done $0x0  }
.LBB2_2:
0x30: {  	[sflag:s14] =	ssyncadd.s32 $0xFFFF8000  }
0x31: {  	_ =	sfence.sel $0x180000  }
0x32: {  	[bflag:$0x0] =	sbarrier.arrive $0xFFFF  }
0x33: {  	p0 =	sne.s32 s0, $0x0;
	_ =	strace $0x9000004A  }
0x34: {  	s0 =	sadd.s32 @!p0 $0x100000, s1;
	[bflag:$0x2] =	sbarrier.arrive $0xFFFF  }
0x35: {  	[sflag:s0] =	ssyncadd.tile.s32 @!p0 $0x1;
	_ =	shalt  }
.Lfunc_end2:
_tile_overlayer_lowered:
.L_overlay_start_2:
0x36: {  	(tag) =	ssettag $0x2  }
0x37: {  	s0 =	rddreg [dreg:$0x0];
	s2 =	stileid.u32  }
0x38: {  	s1 =	rddreg [dreg:$0x1];
	p0 =	sne.s32 s2, $0x0  }
0x39: {  	s3 =	rddreg [dreg:$0x2];
	[bflag:$0x3] =	sbarrier.arrive $0xFFFF;
	s2 =	simm.s32 @!p0 $0x1C05  }
0x3a: {  	[timem:s3], [sflag:s2] =	dma.local @!p0 [hbm:s0], s1  }
0x3b: {  	s0 =	simm.s32 @!p0 $0x5  }
0x3c: {  	_ =	swait.ge @!p0 [sflag:s0], s1  }
0x3d: {  	s1 =	ssub.s32 @!p0 $0x0, s1;
	[sflag:s0] =	ssyncset.done @!p0 $0x0  }
0x3e: {  	[sflag:s0] =	ssyncadd.s32 @!p0 s1  }
0x3f: {  	[bflag:$0x3] =	sbarrier.arrive $0xFFFF  }
0x40: {  	_ =	shalt  }

</sc_bundles>
